<compile_context>
chip_gen: v7x
topology: tpu7x:2x2x1
jax: 0.10.2.dev20260603
libtpu: 0.0.44.dev20260713+nightly
codegen_flags: <defaults>
</compile_context>

<pallas_src>
import functools

import jax
import jax.numpy as jnp
from jax import lax
from jax.experimental import pallas as pl
from jax.experimental.pallas import tpu as pltpu
from jax.experimental.pallas import tpu_sc as plsc

NC = 2
NS = 16
NW = NC * NS
K = 80
RB = 2000


def _sc_mesh():
    return plsc.VectorSubcoreMesh(core_axis_name="c", subcore_axis_name="s")


@functools.partial(jax.jit, static_argnums=(2,))
def _degree_partials(ei, ew, n):
    ept = ew.shape[0] // NW

    @functools.partial(
        pl.kernel,
        out_type=jax.ShapeDtypeStruct((NW, n), jnp.float32),
        mesh=_sc_mesh(),
        scratch_types=[
            pltpu.VMEM((ept,), jnp.int32),
            pltpu.VMEM((ept,), jnp.float32),
            pltpu.VMEM((n,), jnp.float32),
        ],
        compiler_params=pltpu.CompilerParams(
            needs_layout_passes=False, use_tc_tiling_on_sc=False),
    )
    def degk(ei_hbm, ew_hbm, out_hbm, cidx, wbuf, dloc):
        cid = lax.axis_index("c")
        sid = lax.axis_index("s")
        wid = cid * NS + sid
        pltpu.sync_copy(ei_hbm.at[1, pl.ds(wid * ept, ept)], cidx)
        pltpu.sync_copy(ew_hbm.at[pl.ds(wid * ept, ept)], wbuf)
        zv = jnp.zeros((16,), jnp.float32)

        def zbody(i, _):
            for u in range(4):
                dloc[pl.ds(i * 64 + u * 16, 16)] = zv
            return 0

        lax.fori_loop(0, n // 64, zbody, 0)

        def abody(i, _):
            cv = cidx[pl.ds(i * 16, 16)]
            wv = wbuf[pl.ds(i * 16, 16)]
            plsc.addupdate_scatter(dloc, [cv], wv)
            return 0

        lax.fori_loop(0, ept // 16, abody, 0)
        pltpu.sync_copy(dloc, out_hbm.at[wid])

    return degk(ei, ew)


@functools.partial(jax.jit, static_argnums=(4, 5))
def _message_partials(xwp, ei, c3, ew, n, h):
    ept = ew.shape[0] // NW
    nchunk = ept // K
    stripe = n // NS
    assert nchunk % 3 == 2, nchunk
    nt = (nchunk - 2) // 3

    @functools.partial(
        pl.kernel,
        out_type=jax.ShapeDtypeStruct((NC, n, h), jnp.float32),
        mesh=_sc_mesh(),
        scratch_types=[
            pltpu.VMEM((nchunk, K), jnp.int32),
            pltpu.VMEM((ept,), jnp.int32),
            pltpu.VMEM((ept,), jnp.float32),
            pltpu.VMEM((K, h), jnp.float32),
            pltpu.VMEM((K, h), jnp.float32),
            pltpu.VMEM((K, h), jnp.float32),
            pltpu.VMEM((stripe // 25, h), jnp.float32),
            pltpu.VMEM_SHARED((n, h), jnp.float32),
            pltpu.SemaphoreType.DMA,
            pltpu.SemaphoreType.DMA,
            pltpu.SemaphoreType.DMA,
            pltpu.SemaphoreType.DMA,
            pltpu.SemaphoreType.DMA,
            pltpu.SemaphoreType.DMA,
        ],
        compiler_params=pltpu.CompilerParams(
            needs_layout_passes=False, use_tc_tiling_on_sc=False),
    )
    def msgk(xwp_hbm, ei_hbm, c_hbm, ew_hbm, out_hbm,
             cidx, ridx, wbuf, rows0, rows1, rows2, zbuf, acc_sh,
             g0, g1, g2, s0, s1, s2):
        rows = (rows0, rows1, rows2)
        gsem = (g0, g1, g2)
        ssem = (s0, s1, s2)
        cid = lax.axis_index("c")
        sid = lax.axis_index("s")
        wid = cid * NS + sid
        pltpu.async_copy(ei_hbm.at[0, pl.ds(wid * ept, ept)], ridx, g0)
        pltpu.async_copy(c_hbm.at[wid], cidx, g1)
        pltpu.async_copy(ew_hbm.at[pl.ds(wid * ept, ept)], wbuf, g2)

        zrows = stripe // 25
        zv = jnp.zeros((16,), jnp.float32)

        def zbody(i, _):
            for jj in range(h // 16):
                zbuf[i, pl.ds(jj * 16, 16)] = zv
            return 0

        lax.fori_loop(0, zrows, zbody, 0)

        def zcopy(i, _):
            pltpu.sync_copy(
                zbuf, acc_sh.at[pl.ds(sid * stripe + i * zrows, zrows)])
            return 0

        lax.fori_loop(0, 25, zcopy, 0)
        pltpu.make_async_copy(
            ei_hbm.at[0, pl.ds(wid * ept, ept)], ridx, g0).wait()
        pltpu.make_async_copy(c_hbm.at[wid], cidx, g1).wait()
        pltpu.make_async_copy(
            ew_hbm.at[pl.ds(wid * ept, ept)], wbuf, g2).wait()
        plsc.subcore_barrier()

        def start_gather(m, b):
            pltpu.async_copy(
                xwp_hbm.at[ridx.at[pl.ds(m * K, K)]], rows[b], gsem[b])

        def wait_gather(m, b):
            pltpu.make_async_copy(
                xwp_hbm.at[ridx.at[pl.ds(m * K, K)]], rows[b], gsem[b]).wait()

        def start_scatter(m, b):
            pltpu.async_copy(rows[b], acc_sh.at[cidx.at[m]], ssem[b],
                             add=True)

        def wait_scatter(m, b):
            pltpu.make_async_copy(
                rows[b], acc_sh.at[cidx.at[m]], ssem[b]).wait()

        def scale(b, m):
            rb = rows[b]

            def edge_body(e):
                wspl = plsc.load_gather(
                    wbuf, [jnp.full((16,), m * K + e, jnp.int32)])
                for jj in range(h // 16):
                    rb[e, pl.ds(jj * 16, 16)] = (
                        rb[e, pl.ds(jj * 16, 16)] * wspl)

            plsc.parallel_loop(0, K, 1, unroll=16)(edge_body)

        start_gather(0, 0)
        start_gather(1, 1)
        wait_gather(0, 0)
        scale(0, 0)
        start_gather(2, 2)
        start_scatter(0, 0)

        def triple(t, _):
            for p in range(3):
                m = 3 * t + 1 + p
                b = (1 + p) % 3
                bn = (b + 2) % 3
                wait_gather(m, b)
                scale(b, m)
                wait_scatter(m - 1, bn)
                if p == 2:
                    @pl.when(t < nt - 1)
                    def _():
                        start_gather(m + 2, bn)
                else:
                    start_gather(m + 2, bn)
                start_scatter(m, b)
            return 0

        lax.fori_loop(0, nt, triple, 0)
        m_last = nchunk - 1
        b_last = m_last % 3
        wait_gather(m_last, b_last)
        scale(b_last, m_last)
        wait_scatter(m_last - 1, (b_last + 2) % 3)
        start_scatter(m_last, b_last)
        wait_scatter(m_last, b_last)
        plsc.subcore_barrier()
        pltpu.sync_copy(acc_sh.at[pl.ds(sid * stripe, stripe)],
                        out_hbm.at[cid, pl.ds(sid * stripe, stripe)])

    return msgk(xwp, ei, c3, ew)


def _tc_matmul1(x, w1):
    n, d = x.shape
    hh = w1.shape[1]
    grid = (n // RB,)

    def body(x_ref, w_ref, xw_ref):
        xw_ref[...] = jnp.dot(x_ref[...], w_ref[...],
                              preferred_element_type=jnp.float32)

    return pl.pallas_call(
        body,
        grid=grid,
        in_specs=[
            pl.BlockSpec((RB, d), lambda i: (i, 0)),
            pl.BlockSpec((d, hh), lambda i: (0, 0)),
        ],
        out_specs=pl.BlockSpec((RB, hh), lambda i: (i, 0)),
        out_shape=jax.ShapeDtypeStruct((n, hh), jnp.float32),
    )(x, w1)


def _tc_scale1(degp_t, xw):
    n, hh = xw.shape
    nw = degp_t.shape[1]
    grid = (n // RB,)

    def body(degp_ref, xw_ref, xwp_ref, dinv_ref):
        deg = jnp.sum(degp_ref[...], axis=1, keepdims=True) + 1.0
        dinv = jnp.where(deg == 0.0, 0.0, lax.rsqrt(jnp.maximum(deg, 1e-30)))
        xwp_ref[...] = xw_ref[...] * dinv
        dinv_ref[...] = dinv

    return pl.pallas_call(
        body,
        grid=grid,
        in_specs=[
            pl.BlockSpec((RB, nw), lambda i: (i, 0)),
            pl.BlockSpec((RB, hh), lambda i: (i, 0)),
        ],
        out_specs=[
            pl.BlockSpec((RB, hh), lambda i: (i, 0)),
            pl.BlockSpec((RB, 1), lambda i: (i, 0)),
        ],
        out_shape=[
            jax.ShapeDtypeStruct((n, hh), jnp.float32),
            jax.ShapeDtypeStruct((n, 1), jnp.float32),
        ],
    )(degp_t, xw)


def _tc_stage2(acc, xwp, dinv, b1, w2):
    n, hh = xwp.shape
    grid = (n // RB,)

    def body(acc_ref, xwp_ref, dinv_ref, b_ref, w_ref, out_ref):
        pre = acc_ref[0] + acc_ref[1] + xwp_ref[...]
        hv = pre * dinv_ref[...] + b_ref[...]
        hv = jnp.where(hv >= 0.0, hv, 0.01 * hv)
        xw = jnp.dot(hv, w_ref[...], preferred_element_type=jnp.float32)
        out_ref[...] = xw * dinv_ref[...]

    return pl.pallas_call(
        body,
        grid=grid,
        in_specs=[
            pl.BlockSpec((NC, RB, hh), lambda i: (0, i, 0)),
            pl.BlockSpec((RB, hh), lambda i: (i, 0)),
            pl.BlockSpec((RB, 1), lambda i: (i, 0)),
            pl.BlockSpec((1, hh), lambda i: (0, 0)),
            pl.BlockSpec((hh, hh), lambda i: (0, 0)),
        ],
        out_specs=pl.BlockSpec((RB, hh), lambda i: (i, 0)),
        out_shape=jax.ShapeDtypeStruct((n, hh), jnp.float32),
    )(acc, xwp, dinv, b1, w2)


def _tc_stage3(acc, xwp, dinv, b2, wm1, bm1, wm2, bm2):
    n, hh = xwp.shape
    c = wm2.shape[1]
    grid = (n // RB,)

    def body(acc_ref, xwp_ref, dinv_ref, b2_ref, wm1_ref, bm1_ref,
             wm2_ref, bm2_ref, out_ref):
        h2 = ((acc_ref[0] + acc_ref[1] + xwp_ref[...]) * dinv_ref[...]
              + b2_ref[...])
        t = jnp.dot(h2, wm1_ref[...],
                    preferred_element_type=jnp.float32) + bm1_ref[...]
        t = jnp.where(t > 0.0, t, jnp.exp(jnp.minimum(t, 0.0)) - 1.0)
        lg = jnp.dot(t, wm2_ref[...],
                     preferred_element_type=jnp.float32) + bm2_ref[...]
        m = jnp.max(lg, axis=-1, keepdims=True)
        ev = jnp.exp(lg - m)
        out_ref[...] = ev / jnp.sum(ev, axis=-1, keepdims=True)

    return pl.pallas_call(
        body,
        grid=grid,
        in_specs=[
            pl.BlockSpec((NC, RB, hh), lambda i: (0, i, 0)),
            pl.BlockSpec((RB, hh), lambda i: (i, 0)),
            pl.BlockSpec((RB, 1), lambda i: (i, 0)),
            pl.BlockSpec((1, hh), lambda i: (0, 0)),
            pl.BlockSpec((hh, hh), lambda i: (0, 0)),
            pl.BlockSpec((1, hh), lambda i: (0, 0)),
            pl.BlockSpec((hh, c), lambda i: (0, 0)),
            pl.BlockSpec((1, c), lambda i: (0, 0)),
        ],
        out_specs=pl.BlockSpec((RB, c), lambda i: (i, 0)),
        out_shape=jax.ShapeDtypeStruct((n, c), jnp.float32),
    )(acc, xwp, dinv, b2, wm1, bm1, wm2, bm2)


def kernel(X, edge_index, edge_weight, W1, b1, W2, b2, Wm1, bm1, Wm2, bm2):
    n, d = X.shape
    hh = W1.shape[1]
    c = Wm2.shape[1]
    e = edge_weight.shape[0]
    ept = e // NW

    c3 = edge_index[1].reshape(NW, ept // K, K)

    degp = _degree_partials(edge_index, edge_weight, n)
    xw1 = _tc_matmul1(X, W1)
    xw1p, dinv = _tc_scale1(degp.T, xw1)
    acc1 = _message_partials(xw1p, edge_index, c3, edge_weight, n, hh)
    xw2p = _tc_stage2(acc1, xw1p, dinv, b1.reshape(1, hh), W2)
    acc2 = _message_partials(xw2p, edge_index, c3, edge_weight, n, hh)
    return _tc_stage3(acc2, xw2p, dinv, b2.reshape(1, hh),
                      Wm1, bm1.reshape(1, hh), Wm2, bm2.reshape(1, c))

# --- scband reference (transcript-rebuilt; emitter-appended) ---
"""Pipeline reference for scband-graph-pool-55456617725995 (READ-ONLY COPY).

The authoritative reference and input builder live on the scoring server;
editing this copy changes nothing except your own understanding.
"""

import jax, jax.numpy as jnp
import numpy as np

N = 10000
E = 320000
D_IN = 128
H = 64
C = 2


def setup_inputs(seed: int = 0) -> dict:
    key = jax.random.key(seed)
    ks = jax.random.split(key, 12)
    X = jax.random.normal(ks[0], (N, D_IN), dtype=jnp.float32)
    edge_index = jax.random.randint(ks[1], (2, E), 0, N, dtype=jnp.int32)
    edge_weight = jax.random.uniform(ks[2], (E,), dtype=jnp.float32)
    # GCNConv layer 1: lin (no bias) + aggregated bias
    W1 = jax.random.normal(ks[3], (D_IN, H), dtype=jnp.float32) * (1.0 / np.sqrt(D_IN))
    b1 = jnp.zeros((H,), dtype=jnp.float32)
    # GCNConv layer 2
    W2 = jax.random.normal(ks[4], (H, H), dtype=jnp.float32) * (1.0 / np.sqrt(H))
    b2 = jnp.zeros((H,), dtype=jnp.float32)
    # MLP head: Linear(H, H) -> Dropout(eval: identity) -> ELU -> Linear(H, C)
    Wm1 = jax.random.normal(ks[5], (H, H), dtype=jnp.float32) * (1.0 / np.sqrt(H))
    bm1 = jax.random.normal(ks[6], (H,), dtype=jnp.float32) * 0.01
    Wm2 = jax.random.normal(ks[7], (H, C), dtype=jnp.float32) * (1.0 / np.sqrt(H))
    bm2 = jax.random.normal(ks[8], (C,), dtype=jnp.float32) * 0.01
    return {"X": X, "edge_index": edge_index, "edge_weight": edge_weight,
            "W1": W1, "b1": b1, "W2": W2, "b2": b2,
            "Wm1": Wm1, "bm1": bm1, "Wm2": Wm2, "bm2": bm2}


def _gcn_conv(x, edge_index, edge_weight, W, b):
    # GCNConv with normalize=True, add_self_loops=True (gcn_norm)
    row = edge_index[0]
    col = edge_index[1]
    loop = jnp.arange(N, dtype=edge_index.dtype)
    r = jnp.concatenate([row, loop])
    c = jnp.concatenate([col, loop])
    w = jnp.concatenate([edge_weight, jnp.ones((N,), dtype=edge_weight.dtype)])
    deg = jax.ops.segment_sum(w, c, num_segments=N)
    deg_safe = jnp.where(deg == 0, 1.0, deg)
    dinv = jnp.where(deg == 0, 0.0, 1.0 / jnp.sqrt(deg_safe))
    norm = dinv[r] * w * dinv[c]
    xw = x @ W
    msg = norm[:, None] * jnp.take(xw, r, axis=0)
    out = jax.ops.segment_sum(msg, c, num_segments=N)
    return out + b


def reference(X, edge_index, edge_weight, W1, b1, W2, b2, Wm1, bm1, Wm2, bm2):
    # BasicGNN GCN, num_layers=2: conv1 -> act -> conv2 (no act after last)
    h = _gcn_conv(X, edge_index, edge_weight, W1, b1)
    h = jax.nn.leaky_relu(h, negative_slope=0.01)
    h = _gcn_conv(h, edge_index, edge_weight, W2, b2)
    # MLP head (Dropout inactive in eval)
    h = h @ Wm1 + bm1
    h = jax.nn.elu(h)
    h = h @ Wm2 + bm2
    return jax.nn.softmax(h, axis=-1)

if __name__ == "__main__":
    import jax
    _d = setup_inputs()
    print(jax.jit(kernel)(*tuple(_d.values())))

</pallas_src>

<mosaic_0001>
#map = affine_map<(d0, d1) -> (0, 0)>
#map1 = affine_map<(d0, d1) -> (0)>
module attributes {stable_mosaic.version = 14 : i64} {
  func.func @degk(%arg0: i32, %arg1: i32, %arg2: memref<2x320000xi32, #tpu.memory_space<hbm>>, %arg3: memref<320000xf32, #tpu.memory_space<hbm>>, %arg4: memref<32x10000xf32, #tpu.memory_space<hbm>>, %arg5: memref<10000xi32, #tpu.memory_space<vmem>>, %arg6: memref<10000xf32, #tpu.memory_space<vmem>>, %arg7: memref<10000xf32, #tpu.memory_space<vmem>>) attributes {dimension_semantics = [#tpu.dimension_semantics<core_parallel>, #tpu.dimension_semantics<subcore_parallel>], iteration_bounds = array<i64: 2, 16>, scalar_prefetch = 0 : i64, scratch_operands = 3 : i64, tpu.core_type = #tpu.core_type<sc_vector_subcore>, window_params = [{transform_indices = #map}, {transform_indices = #map1}, {transform_indices = #map}]} {
    %mul3A = arith.constant 16 : i32
    %mul3A_0 = arith.muli %arg0, %mul3A : i32
    %add3A = arith.addi %mul3A_0, %arg1 : i32
    %mul3A_1 = arith.constant 10000 : i32
    %mul3A_2 = arith.muli %add3A, %mul3A_1 : i32
    %run_scoped3A = arith.constant 1 : i32
    "tpu.region"() ({
      %run_scoped3A_19 = tpu.sem_alloc : memref<!tpu.dma_semaphore, #tpu.memory_space<semaphore_mem>>
      %dma_start3A = tpu.memref_slice %arg2[%run_scoped3A, %mul3A_2] : memref<2x320000xi32, #tpu.memory_space<hbm>> -> memref<1x10000xi32, #tpu.memory_space<hbm>>
      %dma_start3A_20 = tpu.memref_squeeze %dma_start3A : memref<1x10000xi32, #tpu.memory_space<hbm>> -> memref<10000xi32, #tpu.memory_space<hbm>>
      %dma_start3A_21 = tpu.memref_slice %arg2[%run_scoped3A, %mul3A_2] : memref<2x320000xi32, #tpu.memory_space<hbm>> -> memref<1x10000xi32, #tpu.memory_space<hbm>>
      %dma_start3A_22 = tpu.memref_squeeze %dma_start3A_21 : memref<1x10000xi32, #tpu.memory_space<hbm>> -> memref<10000xi32, #tpu.memory_space<hbm>>
      tpu.enqueue_dma source(%dma_start3A_22 : memref<10000xi32, #tpu.memory_space<hbm>>) target(%arg5 : memref<10000xi32, #tpu.memory_space<vmem>>) target_semaphore(%run_scoped3A_19 : memref<!tpu.dma_semaphore, #tpu.memory_space<semaphore_mem>>)
      %dma_wait3A = tpu.memref_slice %arg2[%run_scoped3A, %mul3A_2] : memref<2x320000xi32, #tpu.memory_space<hbm>> -> memref<1x10000xi32, #tpu.memory_space<hbm>>
      %dma_wait3A_23 = tpu.memref_squeeze %dma_wait3A : memref<1x10000xi32, #tpu.memory_space<hbm>> -> memref<10000xi32, #tpu.memory_space<hbm>>
      %dma_wait3A_24 = tpu.memref_slice %arg2[%run_scoped3A, %mul3A_2] : memref<2x320000xi32, #tpu.memory_space<hbm>> -> memref<1x10000xi32, #tpu.memory_space<hbm>>
      %dma_wait3A_25 = tpu.memref_squeeze %dma_wait3A_24 : memref<1x10000xi32, #tpu.memory_space<hbm>> -> memref<10000xi32, #tpu.memory_space<hbm>>
      tpu.wait_dma2 semaphore(%run_scoped3A_19 : memref<!tpu.dma_semaphore, #tpu.memory_space<semaphore_mem>>) src(%dma_wait3A_25 : memref<10000xi32, #tpu.memory_space<hbm>>) dst(%arg5 : memref<10000xi32, #tpu.memory_space<vmem>>)
      tpu.yield
    }) : () -> ()
    %mul3A_3 = arith.constant 10000 : i32
    %mul3A_4 = arith.muli %add3A, %mul3A_3 : i32
    "tpu.region"() ({
      %run_scoped3A_19 = tpu.sem_alloc : memref<!tpu.dma_semaphore, #tpu.memory_space<semaphore_mem>>
      %dma_start3A = tpu.memref_slice %arg3[%mul3A_4] : memref<320000xf32, #tpu.memory_space<hbm>> -> memref<10000xf32, #tpu.memory_space<hbm>>
      %dma_start3A_20 = tpu.memref_slice %arg3[%mul3A_4] : memref<320000xf32, #tpu.memory_space<hbm>> -> memref<10000xf32, #tpu.memory_space<hbm>>
      tpu.enqueue_dma source(%dma_start3A_20 : memref<10000xf32, #tpu.memory_space<hbm>>) target(%arg6 : memref<10000xf32, #tpu.memory_space<vmem>>) target_semaphore(%run_scoped3A_19 : memref<!tpu.dma_semaphore, #tpu.memory_space<semaphore_mem>>)
      %dma_wait3A = tpu.memref_slice %arg3[%mul3A_4] : memref<320000xf32, #tpu.memory_space<hbm>> -> memref<10000xf32, #tpu.memory_space<hbm>>
      %dma_wait3A_21 = tpu.memref_slice %arg3[%mul3A_4] : memref<320000xf32, #tpu.memory_space<hbm>> -> memref<10000xf32, #tpu.memory_space<hbm>>
      tpu.wait_dma2 semaphore(%run_scoped3A_19 : memref<!tpu.dma_semaphore, #tpu.memory_space<semaphore_mem>>) src(%dma_wait3A_21 : memref<10000xf32, #tpu.memory_space<hbm>>) dst(%arg6 : memref<10000xf32, #tpu.memory_space<vmem>>)
      tpu.yield
    }) : () -> ()
    %broadcast_in_dim3A = arith.constant 0.000000e+00 : f32
    %broadcast_in_dim3A_5 = vector.broadcast %broadcast_in_dim3A : f32 to vector<16xf32>
    %scan3A = arith.constant 0 : i32
    %scan3A_6 = arith.constant 0 : i32
    %scan3A_7 = arith.constant 156 : i32
    %scan3A_8 = arith.addi %scan3A_6, %scan3A_7 : i32
    %scan3A_9 = arith.constant 1 : i32
    %scan3A_10 = scf.for %scan3A_19 = %scan3A_6 to %scan3A_8 step %scan3A_9 iter_args(%scan3A_20 = %scan3A) -> (i32)  : i32 {
      %mul3A_21 = arith.constant 64 : i32
      %mul3A_22 = arith.muli %scan3A_19, %mul3A_21 : i32
      %add3A_23 = arith.constant 0 : i32
      %add3A_24 = arith.addi %mul3A_22, %add3A_23 : i32
      %swap3A = arith.index_cast %add3A_24 : i32 to index
      %swap3A_25 = tpu.vector_load %arg7[%swap3A] {strides = array<i32>} : memref<10000xf32, #tpu.memory_space<vmem>>, vector<16xf32>,
      tpu.vector_store %arg7[%swap3A], %broadcast_in_dim3A_5 {strides = array<i32>} : memref<10000xf32, #tpu.memory_space<vmem>>, vector<16xf32>,
      %mul3A_26 = arith.constant 64 : i32
      %mul3A_27 = arith.muli %scan3A_19, %mul3A_26 : i32
      %add3A_28 = arith.constant 16 : i32
      %add3A_29 = arith.addi %mul3A_27, %add3A_28 : i32
      %swap3A_30 = arith.index_cast %add3A_29 : i32 to index
      %swap3A_31 = tpu.vector_load %arg7[%swap3A_30] {strides = array<i32>} : memref<10000xf32, #tpu.memory_space<vmem>>, vector<16xf32>,
      tpu.vector_store %arg7[%swap3A_30], %broadcast_in_dim3A_5 {strides = array<i32>} : memref<10000xf32, #tpu.memory_space<vmem>>, vector<16xf32>,
      %mul3A_32 = arith.constant 64 : i32
      %mul3A_33 = arith.muli %scan3A_19, %mul3A_32 : i32
      %add3A_34 = arith.constant 32 : i32
      %add3A_35 = arith.addi %mul3A_33, %add3A_34 : i32
      %swap3A_36 = arith.index_cast %add3A_35 : i32 to index
      %swap3A_37 = tpu.vector_load %arg7[%swap3A_36] {strides = array<i32>} : memref<10000xf32, #tpu.memory_space<vmem>>, vector<16xf32>,
      tpu.vector_store %arg7[%swap3A_36], %broadcast_in_dim3A_5 {strides = array<i32>} : memref<10000xf32, #tpu.memory_space<vmem>>, vector<16xf32>,
      %mul3A_38 = arith.constant 64 : i32
      %mul3A_39 = arith.muli %scan3A_19, %mul3A_38 : i32
      %add3A_40 = arith.constant 48 : i32
      %add3A_41 = arith.addi %mul3A_39, %add3A_40 : i32
      %swap3A_42 = arith.index_cast %add3A_41 : i32 to index
      %swap3A_43 = tpu.vector_load %arg7[%swap3A_42] {strides = array<i32>} : memref<10000xf32, #tpu.memory_space<vmem>>, vector<16xf32>,
      tpu.vector_store %arg7[%swap3A_42], %broadcast_in_dim3A_5 {strides = array<i32>} : memref<10000xf32, #tpu.memory_space<vmem>>, vector<16xf32>,
      %scan3A_44 = arith.constant 0 : i32
      scf.yield %scan3A_44 : i32
    }
    %scan3A_11 = arith.constant 156 : i32
    %scan3A_12 = arith.constant 0 : i32
    %scan3A_13 = arith.constant 0 : i32
    %scan3A_14 = arith.constant 625 : i32
    %scan3A_15 = arith.addi %scan3A_13, %scan3A_14 : i32
    %scan3A_16 = arith.constant 1 : i32
    %scan3A_17 = scf.for %scan3A_19 = %scan3A_13 to %scan3A_15 step %scan3A_16 iter_args(%scan3A_20 = %scan3A_12) -> (i32)  : i32 {
      %mul3A_21 = arith.constant 16 : i32
      %mul3A_22 = arith.muli %scan3A_19, %mul3A_21 : i32
      %get3A = arith.index_cast %mul3A_22 : i32 to index
      %get3A_23 = tpu.vector_load %arg5[%get3A] {strides = array<i32>} : memref<10000xi32, #tpu.memory_space<vmem>>, vector<16xi32>,
      %mul3A_24 = arith.constant 16 : i32
      %mul3A_25 = arith.muli %scan3A_19, %mul3A_24 : i32
      %get3A_26 = arith.index_cast %mul3A_25 : i32 to index
      %get3A_27 = tpu.vector_load %arg6[%get3A_26] {strides = array<i32>} : memref<10000xf32, #tpu.memory_space<vmem>>, vector<16xf32>,
      tpu.vector_store_idx %arg7[%get3A_23], %get3A_27 {add = true} : memref<10000xf32, #tpu.memory_space<vmem>>[vector<16xi32>], vector<16xf32>,
      %scan3A_28 = arith.constant 0 : i32
      scf.yield %scan3A_28 : i32
    }
    %scan3A_18 = arith.constant 625 : i32
    "tpu.region"() ({
      %run_scoped3A_19 = tpu.sem_alloc : memref<!tpu.dma_semaphore, #tpu.memory_space<semaphore_mem>>
      %dma_start3A = arith.constant 0 : i32
      %dma_start3A_20 = tpu.memref_slice %arg4[%add3A, %dma_start3A] : memref<32x10000xf32, #tpu.memory_space<hbm>> -> memref<1x10000xf32, #tpu.memory_space<hbm>>
      %dma_start3A_21 = tpu.memref_squeeze %dma_start3A_20 : memref<1x10000xf32, #tpu.memory_space<hbm>> -> memref<10000xf32, #tpu.memory_space<hbm>>
      %dma_start3A_22 = arith.constant 0 : i32
      %dma_start3A_23 = tpu.memref_slice %arg4[%add3A, %dma_start3A_22] : memref<32x10000xf32, #tpu.memory_space<hbm>> -> memref<1x10000xf32, #tpu.memory_space<hbm>>
      %dma_start3A_24 = tpu.memref_squeeze %dma_start3A_23 : memref<1x10000xf32, #tpu.memory_space<hbm>> -> memref<10000xf32, #tpu.memory_space<hbm>>
      tpu.enqueue_dma source(%arg7 : memref<10000xf32, #tpu.memory_space<vmem>>) target(%dma_start3A_24 : memref<10000xf32, #tpu.memory_space<hbm>>) target_semaphore(%run_scoped3A_19 : memref<!tpu.dma_semaphore, #tpu.memory_space<semaphore_mem>>)
      %dma_wait3A = arith.constant 0 : i32
      %dma_wait3A_25 = tpu.memref_slice %arg4[%add3A, %dma_wait3A] : memref<32x10000xf32, #tpu.memory_space<hbm>> -> memref<1x10000xf32, #tpu.memory_space<hbm>>
      %dma_wait3A_26 = tpu.memref_squeeze %dma_wait3A_25 : memref<1x10000xf32, #tpu.memory_space<hbm>> -> memref<10000xf32, #tpu.memory_space<hbm>>
      %dma_wait3A_27 = arith.constant 0 : i32
      %dma_wait3A_28 = tpu.memref_slice %arg4[%add3A, %dma_wait3A_27] : memref<32x10000xf32, #tpu.memory_space<hbm>> -> memref<1x10000xf32, #tpu.memory_space<hbm>>
      %dma_wait3A_29 = tpu.memref_squeeze %dma_wait3A_28 : memref<1x10000xf32, #tpu.memory_space<hbm>> -> memref<10000xf32, #tpu.memory_space<hbm>>
      tpu.wait_dma2 semaphore(%run_scoped3A_19 : memref<!tpu.dma_semaphore, #tpu.memory_space<semaphore_mem>>) src(%arg7 : memref<10000xf32, #tpu.memory_space<vmem>>) dst(%dma_wait3A_29 : memref<10000xf32, #tpu.memory_space<hbm>>)
      tpu.yield
    }) : () -> ()
    return
  }
}

</mosaic_0001>

<sc_bundles>
// kernel: _degree_partials.3.cloned.1.call-start
scs
__scs_entry_jumppad:
0x0: {  	(pc) =	sbr.rel $0x88, $3  }
0x1: {  	(tag) =	ssettag $0x0;
	lr =	simm.s32 $0x1  }
0x2: {  	[smem:$0x3F9F] =	sst lr;
	_ =	strace $0xD0000000  }
0x3: {  	_ = 	snop  }
0x4: {  	_ = 	snop  }
0x5: {  	_ = 	snop  }
0x6: {  	_ = 	snop  }
0x7: {  	_ = 	snop  }
__scs_overlays_trampoline_lowered:
0x8: {  	[smem:$0x3FAE] =	sst s0  }
0x9: {  	[smem:$0x3FAF] =	sst s1  }
0xa: {  	[smem:$0x3FB0] =	sst s2  }
0xb: {  	[smem:$0x3FB1] =	sst s3  }
0xc: {  	[smem:$0x3FB2] =	sst s4  }
0xd: {  	[smem:$0x3FB3] =	sst s5  }
0xe: {  	[smem:$0x3FB4] =	sst s6  }
0xf: {  	[smem:$0x3FB5] =	sst s7  }
0x10: {  	[smem:$0x3FB6] =	sst s8  }
0x11: {  	[smem:$0x3FB7] =	sst s9;
	s0 =	simm.s32 @!p0 $0x0  }
0x12: {  	s1 =	sld [smem:$0x3F9D];
	s0 =	simm.s32 @p0 $0x1  }
0x13: {  	[smem:$0x3FB8] =	sst s0;
	s0 =	simm.s32 @!p1 $0x0  }
0x14: {  	s2 =	sld [smem:$0x3F9C];
	s0 =	simm.s32 @p1 $0x1  }
0x15: {  	[smem:$0x3FB9] =	sst s0;
	s0 =	simm.s32 @!p2 $0x0  }
0x16: {  	s3 =	sld [smem:$0x3FDB];
	s0 =	simm.s32 @p2 $0x1  }
0x17: {  	s4 =	simm.s32 $0x1BF5;
	[smem:$0x3FBB] =	sst s0  }
0x18: {  	s0 =	sld [smem:$0x3F9E];
	_ =	swait.ge [sflag:s4], $0x0  }
0x19: {  	s7 =	sld [smem:$0x3F9F]  }
0x1a: {  	s8 =	sadd.s32 $0xFFFFE003, lr  }
0x1b: {  	s9 =	sadd.s32 $0xFFFFFEF7, lr;
	s5 =	simm.s32 $0xFFFFFFFF;
	p2 =	slt.u32 s8, $0xFFFFF086  }
0x1c: {  	p1 =	slt.u32 s9, $0xF7A;
	s5 =	simm.s32 @!p2 $0x0  }
0x1d: {  	s5 =	simm.s32 @p1 $0x1;
	p0 =	seq.s32 s7, s2  }
0x1e: {  	s7 =	smul.u32 @!p0 $0xF7A, s2;
	p2 =	seq.s32 @!p0 s5, $0x0  }
0x1f: {  	s9 =	smul.u32 $0xF7A, s1;
	s8 =	simm.s32 @!p0 $0x1BF5;
	p2 =	por !p2, p0  }
0x20: {  	[sflag:s8] =	ssyncset.s32 @!p0 $0xFFFFF086;
	s6 =	sadd.s32 @!p0 s3, s7;
	s7 =	simm.s32 @!p0 $0x108  }
0x21: {  	s3 =	sadd.s32 s3, s9;
	s6 =	sadd.s32 @!p0 $0x88, s6;
	s7 =	simm.s32 @p2 $0x1082  }
0x22: {  	[simem:s7], [sflag:s8] =	dma.local @!p0 [hbm:s6], $0xF7A  }
0x23: {  	s9 =	sor.u32 $0xD0000000, s2;
	s6 =	simm.s32 $0x108;
	_ =	swait.ge @!p0 [sflag:s8], $0x0  }
0x24: {  	s3 =	sadd.s32 $0x88, s3;
	s6 =	simm.s32 @!p1 $0x1082;
	[sflag:s4] =	ssyncset.s32 $0xFFFFF086  }
0x25: {  	[simem:s6], [sflag:s4] =	dma.local [hbm:s3], $0xF7A  }
0x26: {  	[smem:$0x3F9F] =	sst s1;
	(tag) =	ssettag s2;
	_ =	strace s9  }
0x27: {  	s1 =	sld [smem:$0x3FAF]  }
0x28: {  	s2 =	sld [smem:$0x3FB0]  }
0x29: {  	s4 =	sld [smem:$0x3FB2]  }
0x2a: {  	p0 =	seq.s32 s5, $0x0;
	s5 =	sld [smem:$0x3FB3]  }
0x2b: {  	s6 =	sld [smem:$0x3FB4]  }
0x2c: {  	s7 =	sld [smem:$0x3FB5]  }
0x2d: {  	s3 =	simm.s32 $0x108;
	s8 =	sld [smem:$0x3FB6]  }
0x2e: {  	s3 =	simm.s32 @!p0 $0x1082;
	s9 =	sld [smem:$0x3FB7]  }
0x2f: {  	lr =	sadd.s32 s0, s3;
	s0 =	sld [smem:$0x3FAE]  }
0x30: {  	s3 =	sld [smem:$0x3FB1]  }
0x31: {  	[smem:$0x3FBA] =	sst s10  }
0x32: {  	s10 =	sld [smem:$0x3FB8];
	_ =	sdelay $0x3  }
0x33: {  	p0 =	seq.s32 s10, $0x1;
	s10 =	sld [smem:$0x3FBA];
	_ =	sdelay $0x3  }
0x34: {  	[smem:$0x3FBA] =	sst s10  }
0x35: {  	s10 =	sld [smem:$0x3FB9];
	_ =	sdelay $0x3  }
0x36: {  	p1 =	seq.s32 s10, $0x1;
	s10 =	sld [smem:$0x3FBA];
	_ =	sdelay $0x3  }
0x37: {  	[smem:$0x3FBA] =	sst s10  }
0x38: {  	s10 =	sld [smem:$0x3FBB]  }
0x39: {  	_ = 	snop;
	(pc) =	sbr.ind lr, $3  }
0x3a: {  	_ = 	snop  }
0x3b: {  	_ = 	snop  }
0x3c: {  	p2 =	seq.s32 s10, $0x1;
	s10 =	sld [smem:$0x3FBA]  }
0x3d: {  	_ =	shalt  }
0x3e: {  	_ =	shalt  }
0x3f: {  	_ =	shalt  }
0x40: {  	_ =	shalt  }
0x41: {  	_ =	shalt  }
0x42: {  	_ =	shalt  }
0x43: {  	_ =	shalt  }
0x44: {  	_ =	shalt  }
0x45: {  	_ =	shalt  }
0x46: {  	_ =	shalt  }
0x47: {  	_ =	shalt  }
0x48: {  	_ =	shalt  }
0x49: {  	_ =	shalt  }
0x4a: {  	_ =	shalt  }
0x4b: {  	_ =	shalt  }
0x4c: {  	_ =	shalt  }
0x4d: {  	_ =	shalt  }
0x4e: {  	_ =	shalt  }
0x4f: {  	_ =	shalt  }
0x50: {  	_ =	shalt  }
0x51: {  	_ =	shalt  }
0x52: {  	_ =	shalt  }
0x53: {  	_ =	shalt  }
0x54: {  	_ =	shalt  }
0x55: {  	_ =	shalt  }
0x56: {  	_ =	shalt  }
0x57: {  	_ =	shalt  }
0x58: {  	_ =	shalt  }
0x59: {  	_ =	shalt  }
0x5a: {  	_ =	shalt  }
0x5b: {  	_ =	shalt  }
0x5c: {  	_ =	shalt  }
0x5d: {  	_ =	shalt  }
0x5e: {  	_ =	shalt  }
0x5f: {  	_ =	shalt  }
0x60: {  	_ =	shalt  }
0x61: {  	_ =	shalt  }
0x62: {  	_ =	shalt  }
0x63: {  	_ =	shalt  }
0x64: {  	_ =	shalt  }
0x65: {  	_ =	shalt  }
0x66: {  	_ =	shalt  }
0x67: {  	_ =	shalt  }
0x68: {  	_ =	shalt  }
0x69: {  	_ =	shalt  }
0x6a: {  	_ =	shalt  }
0x6b: {  	_ =	shalt  }
0x6c: {  	_ =	shalt  }
0x6d: {  	_ =	shalt  }
0x6e: {  	_ =	shalt  }
0x6f: {  	_ =	shalt  }
0x70: {  	_ =	shalt  }
0x71: {  	_ =	shalt  }
0x72: {  	_ =	shalt  }
0x73: {  	_ =	shalt  }
0x74: {  	_ =	shalt  }
0x75: {  	_ =	shalt  }
0x76: {  	_ =	shalt  }
0x77: {  	_ =	shalt  }
0x78: {  	_ =	shalt  }
0x79: {  	_ =	shalt  }
0x7a: {  	_ =	shalt  }
0x7b: {  	_ =	shalt  }
0x7c: {  	_ =	shalt  }
0x7d: {  	_ =	shalt  }
0x7e: {  	_ =	shalt  }
0x7f: {  	_ =	shalt  }
0x80: {  	_ =	shalt  }
0x81: {  	_ =	shalt  }
0x82: {  	_ =	shalt  }
0x83: {  	_ =	shalt  }
0x84: {  	_ =	shalt  }
0x85: {  	_ =	shalt  }
0x86: {  	_ =	shalt  }
0x87: {  	_ =	shalt  }
.Lfunc_end0:
.L_simem_size_0:
called_computation_lowered:
.L_overlay_start_0:
0x88: {  	s2 =	sld [smem:$0x3FD9]  }
0x89: {  	s3 =	sld [smem:$0x3FFE];
	_ =	sdelay $0x1  }
0x8a: {  	s1 =	srdreg.scid  }
0x8b: {  	s0 =	sand.u32 $0x1, s1  }
0x8c: {  	s17 =	sshll.u32 s0, $0xA;
	s2 =	sadd.s32 s3, s2  }
0x8d: {  	s2 =	sadd.s32 s2, s17  }
0x8e: {  	[smem:$0x3FC6] =	sst s2  }
0x8f: {  	_ = 	snop  }
0x90: {  	s2 =	sld [smem:$0x3FC8];
	(tm) =	ssettm $0x1  }
0x91: {  	s18 =	sld [smem:$0x3FFB];
	_ =	sdelay $0x3  }
0x92: {  	_ =	strace s18  }
0x93: {  	s3 =	sld [smem:$0x3FFC];
	_ =	sdelay $0x3  }
0x94: {  	_ =	strace s3  }
0x95: {  	s3 =	sld [smem:$0x3FFD];
	_ =	sdelay $0x3  }
0x96: {  	_ =	strace s3  }
0x97: {  	_ =	strace $0x8FFFFFFF  }
0x98: {  	s19 =	sld [smem:$0x3FDB];
	_ =	sdelay $0x1  }
0x99: {  	s4 =	simm.s32 $_scs_section_size  }
0x9a: {  	s5 =	simm.s32 $_size__tile_overlayer_lowered;
	s6 =	simm.s32 $_tile_overlayer_lowered  }
0x9b: {  	s22 =	simm.s32 $0x1BFF;
	s21 =	sshll.u32 s6, $0x1;
	s3 =	sadd.s32 s4, s19  }
0x9c: {  	s7 =	simm.s32 $0x0;
	s20 =	sshll.u32 s5, $0x1;
	s5 =	sadd.s32 s21, s3  }
0x9d: {  	[timem:s7], [sflag:s22] =	dma.local [hbm:s5], s20  }
0x9e: {  	_ =	swait.ge [sflag:s22], s20  }
0x9f: {  	s4 =	ssub.s32 $0x0, s20;
	[sflag:s22] =	ssyncset.done $0x0  }
0xa0: {  	[sflag:s22] =	ssyncadd.s32 s4;
	_ =	sdelay $0x1  }
0xa1: {  	s23 =	simm.s32 $0x1B8B  }
0xa2: {  	_ =	swait.ge [sflag:s23], $0x1  }
0xa3: {  	[sflag:s23] =	ssyncset.done $0x0  }
0xa4: {  	s25 =	simm.s32 $0x1B8E;
	s24 =	sld [smem:$0x3FFE];
	[sflag:s23] =	ssyncadd.s32 $0xFFFFFFFF  }
0xa5: {  	s26 =	simm.s32 $execute0_lowered;
	[smem:$0x3FD2] =	sst s25  }
0xa6: {  	s5 =	sshll.u32 s26, $0x1;
	_ =	strace $0x80000046;
	[dreg:$0x1] =	wrdreg $0xFFFFFFFF  }
0xa7: {  	s28 =	simm.s32 $_size_execute0_lowered;
	s3 =	sadd.s32 s3, s5;
	[dreg:$0x0] =	wrdreg $0x0  }
0xa8: {  	s5 =	sshll.u32 s28, $0x1;
	[dreg:$0x2] =	wrdreg s3  }
0xa9: {  	[dreg:$0x3] =	wrdreg s5  }
0xaa: {  	[dreg:$0x4] =	wrdreg $0xC0  }
0xab: {  	_ =	task [dreg:s7], $0x5FFFF  }
0xac: {  	[dreg:$0x1] =	wrdreg $0xFFFFFFFF  }
0xad: {  	[dreg:$0x0] =	wrdreg $0x60  }
0xae: {  	[dreg:$0x2] =	wrdreg s24  }
0xaf: {  	[dreg:$0x3] =	wrdreg s2  }
0xb0: {  	[dreg:$0x4] =	wrdreg $0x9  }
0xb1: {  	_ =	task.clear_ibuf [dreg:s7], $0x5FFFF;
	_ =	strace $0x90000046  }
0xb2: {  	s29 =	simm.s32 $0x9;
	_ =	strace $0x80000048  }
0xb3: {  	_ =	swait.ge [sflag:s29], $0x1  }
0xb4: {  	[sflag:s29] =	ssyncadd.s32 $0xFFFFFFFF  }
0xb5: {  	_ =	strace $0x90000048  }
0xb6: {  	_ =	sfence  }
0xb7: {  	s30 =	sld [smem:$0x0];
	_ =	sdelay $0x2  }
0xb8: {  	s31 =	sshll.u32 s1, $0xD;
	s1 =	sshrl.u32 s1, $0x2  }
0xb9: {  	s3 =	sand.u32 $0x4000, s31;
	s1 =	sadd.s32 s1, s30  }
0xba: {  	s0 =	sor.u32 s3, s0;
	s1 =	sshll.u32 s1, $0x11  }
0xbb: {  	s0 =	sor.u32 s1, s0  }
0xbc: {  	s0 =	sadd.s32 $0x8F2B, s0  }
0xbd: {  	[sflag:s0] =	ssyncadd.remote.s32 $0x1  }
0xbe: {  	_ =	sfence.sel $0xFFFF  }
0xbf: {  	[dreg:$0x0] =	wrdreg $0xFFFFFFFF;
	(pc) =	sbr.abs _section_cstart, $3  }
0xc0: {  	[dreg:$0x1] =	wrdreg $0xFFFFFFFF  }
0xc1: {  	_ =	task.clear_ibuf [dreg:s7], $0x2FFFF;
	_ =	strace $0x9FFFFFFF  }
0xc2: {  	(tm) =	ssettm $0x7FFFFFFF  }
0xc3: {  	_ =	shalt  }
tec
execute0_lowered:
.L_overlay_start_1:
0x0: {  	(tag) =	ssettag $0x1  }
0x1: {  	s0 =	srdreg.scid  }
0x2: {  	s3 =	sand.u32 $0x1, s0  }
0x3: {  	s4 =	rddreg [dreg:$0x0];
	s0 =	stileid.u32;
	s1 =	sshll.u32 s3, $0x4  }
0x4: {  	s5 =	rddreg [dreg:$0x1];
	s1 =	sor.u32 s0, s1  }
0x5: {  	s2 =	simm.s32 $0x0;
	s9 =	simm.s32 $0x4E20;
	s6 =	smul.u32 $0x2710, s1  }
0x6: {  	s10 =	simm.s32 $0x0;
	[smem:$0x7FF] =	sst s2;
	s3 =	ssub.s32 $0x2, s3  }
0x7: {  	s31 =	sshrl.u32 s3, $0x1;
	s1 =	rddreg [dreg:$0x2];
	s6 =	sshrl.u32 s6, $0x3  }
0x8: {  	_ =	strace $0x80000047;
	s8 =	ssub.s32 s3, s31;
	s7 =	sadd.s32 s6, s4  }
0x9: {  	s4 =	sadd.s32 s5, s6;
	s6 =	smax.u32 s8, $0x1;
	s8 =	simm.s32 $0x2710  }
0xa: {  	v0 =	vimm.f32 $0.0e+00;
	s3 =	sadd.s32 $0xA040, s7;
	s5 =	sadd.s32 $0x13E00, s7;
	s7 =	simm.s32 $0x1  }
.LBB2_1:
0xb: {  	[tilespmem:s2], [sflag:$0x1] =	stream.linear.gather [hbm4b:s3+s2], $0x2710, $0x38;
	[tilespmem:$0x7530] =	vst v63  }
0xc: {  	_ =	swait.ge [sflag:s7], $0x2710  }
0xd: {  	[sflag:s7] =	ssyncset.done $0x0  }
0xe: {  	[sflag:s7] =	ssyncadd.s32 $0xFFFFD8F0  }
0xf: {  	[tilespmem:s8], [sflag:$0x1] =	stream.linear.gather [hbm4b:s4+s2], $0x2710, $0x38;
	[tilespmem:$0x7530] =	vst v63  }
0x10: {  	_ =	swait.ge [sflag:s7], $0x2710  }
0x11: {  	[sflag:s7] =	ssyncset.done $0x0  }
0x12: {  	s11 =	simm.s32 $0x0;
	[sflag:s7] =	ssyncadd.s32 $0xFFFFD8F0  }
.LBB2_2:
0x13: {  	p0 =	sne.s32 s11, $0x9B00  }
.Ltmp0:
0x14: {  	s12 =	sshra.s32 s11, $0x2;
	(pc) =	sbr.rel @p0 .LBB2_2-.Ltmp0, $4  }
0x15: {  	[tilespmem:s12+$0x4E20] =	vst v0  }
0x16: {  	[tilespmem:s12+$0x4E30] =	vst v0  }
0x17: {  	[tilespmem:s12+$0x4E40] =	vst v0  }
0x18: {  	s11 =	sadd.s32 $0x100, s11;
	[tilespmem:s12+$0x4E50] =	vst v0  }
0x19: {  	s12 =	simm.s32 $0x0;
	s11 =	simm.s32 $0x40  }
.LBB2_4:
0x1a: {  	p0 =	sne.s32 s11, $0x9C00;
	v1 =	vld [tilespmem:s12+$0x0];
	_ =	sdelay $0x2  }
0x1b: {  	v2 =	vld [tilespmem:s12+$0x2710]  }
.Ltmp1:
0x1c: {  	(pc) =	sbr.rel @p0 .LBB2_4-.Ltmp1, $2  }
0x1d: {  	_ =	sdelay $0x2  }
0x1e: {  	s12 =	sshra.s32 s11, $0x2;
	s11 =	sadd.s32 $0x40, s11;
	[tilespmem:v1+s9+$0x0] =	vst.idx.add.f32.msk $0xffff, v2  }
0x1f: {  	v1 =	vld [tilespmem:s12+$0x0];
	_ =	sdelay $0x2  }
0x20: {  	v2 =	vld [tilespmem:s12+$0x2710];
	_ =	sdelay $0x2  }
0x21: {  	s10 =	sadd.s32 $0x1, s10  }
0x22: {  	p0 =	sne.s32 s10, s6  }
.Ltmp2:
0x23: {  	[tilespmem:v1+s9+$0x0] =	vst.idx.add.f32.msk $0xffff, v2;
	(pc) =	sbr.rel @p0 .LBB2_1-.Ltmp2, $4  }
0x24: {  	[hbm4b:s5+s2] =	stream.linear.scatter [tilespmem:s9], [sflag:$0x1], $0x2710, $0x38;
	[tilespmem:$0x7530] =	vst v63  }
0x25: {  	_ =	swait.ge [sflag:s7], $0x2710  }
0x26: {  	[sflag:s7] =	ssyncset.done $0x0  }
0x27: {  	[sflag:s7] =	ssyncadd.s32 $0xFFFFD8F0  }
0x28: {  	_ =	sfence.sel $0x180000  }
0x29: {  	[bflag:$0x0] =	sbarrier.arrive $0xFFFF  }
0x2a: {  	p0 =	sne.s32 s0, $0x0;
	_ =	strace $0x90000047  }
0x2b: {  	s0 =	sadd.s32 @!p0 $0x100000, s1;
	[bflag:$0x2] =	sbarrier.arrive $0xFFFF  }
0x2c: {  	[sflag:s0] =	ssyncadd.tile.s32 @!p0 $0x1;
	_ =	shalt  }
.Lfunc_end2:
_tile_overlayer_lowered:
.L_overlay_start_2:
0x2d: {  	(tag) =	ssettag $0x2  }
0x2e: {  	s0 =	rddreg [dreg:$0x0];
	s2 =	stileid.u32  }
0x2f: {  	s1 =	rddreg [dreg:$0x1];
	p0 =	sne.s32 s2, $0x0  }
0x30: {  	s3 =	rddreg [dreg:$0x2];
	[bflag:$0x3] =	sbarrier.arrive $0xFFFF;
	s2 =	simm.s32 @!p0 $0x1C01  }
0x31: {  	[timem:s3], [sflag:s2] =	dma.local @!p0 [hbm:s0], s1  }
0x32: {  	s0 =	simm.s32 @!p0 $0x1  }
0x33: {  	_ =	swait.ge @!p0 [sflag:s0], s1  }
0x34: {  	s1 =	ssub.s32 @!p0 $0x0, s1;
	[sflag:s0] =	ssyncset.done @!p0 $0x0  }
0x35: {  	[sflag:s0] =	ssyncadd.s32 @!p0 s1  }
0x36: {  	[bflag:$0x3] =	sbarrier.arrive $0xFFFF  }
0x37: {  	_ =	shalt  }

</sc_bundles>
